<compile_context>
chip_gen: v7x
topology: tpu7x:2x2x1
jax: 0.10.2.dev20260603
libtpu: 0.0.44.dev20260713+nightly
codegen_flags: <defaults>
</compile_context>

<pallas_src>
import functools
import math

import jax
import jax.numpy as jnp
from jax import lax
from jax.experimental import pallas as pl
from jax.experimental.pallas import tpu as pltpu
from jax.experimental.pallas import tpu_sc as plsc

_B, _TPH, _TMEL, _H = 16, 1024, 2048, 256
_HP = _H // 2
_F0_BIN = 256
_F0_MIN, _F0_MAX = 50.0, 1100.0
_MEL_MIN = 1127.0 * math.log(1.0 + _F0_MIN / 700.0)
_MEL_MAX = 1127.0 * math.log(1.0 + _F0_MAX / 700.0)

_HROWS = _B * _TPH
_ROWS = _B * _TMEL

_NC, _NS, _L = 2, 16, 16
_NW = _NC * _NS
_RPW = _ROWS // _NW
_CH = 128
_NCH = _RPW // _CH


def _prep_body(mel2ph_ref, gidx_ref):
    m = mel2ph_ref[...]
    b = lax.broadcasted_iota(jnp.int32, m.shape, 0)
    gidx_ref[...] = b * _TPH + jnp.maximum(m - 1, 0)


def _sc_body(hub_ref, gidx_ref, out_ref, gi_all, a0, a1, gsem, wsem0, wsem1):
    wid = lax.axis_index("s") * _NC + lax.axis_index("c")
    base = wid * _RPW
    pltpu.sync_copy(gidx_ref.at[pl.ds(base, _RPW)], gi_all)
    bufs, wsems = (a0, a1), (wsem0, wsem1)
    writes = [None, None]
    for i in range(_NCH):
        b = i % 2
        if writes[b] is not None:
            writes[b].wait()
        pltpu.async_copy(
            hub_ref.at[gi_all.at[pl.ds(i * _CH, _CH)]], bufs[b], gsem).wait()
        writes[b] = pltpu.async_copy(
            bufs[b], out_ref.at[pl.ds(base + i * _CH, _CH)], wsems[b])
    writes[0].wait()
    writes[1].wait()


@functools.lru_cache(maxsize=None)
def _get_sc_call():
    return pl.kernel(
        _sc_body,
        out_type=jax.ShapeDtypeStruct((_ROWS, _HP), jnp.int32),
        mesh=plsc.VectorSubcoreMesh(core_axis_name="c", subcore_axis_name="s"),
        scratch_types=[
            pltpu.VMEM((_RPW,), jnp.int32),
            pltpu.VMEM((_CH, _HP), jnp.int32),
            pltpu.VMEM((_CH, _HP), jnp.int32),
            pltpu.SemaphoreType.DMA,
            pltpu.SemaphoreType.DMA,
            pltpu.SemaphoreType.DMA,
        ],
    )


def _finish_body(dec_ref, mel_ref, f0_ref, pe_ref, spk_ref, out_ref, f0d_ref):
    m = mel_ref[0]
    f0 = f0_ref[0]
    f0d = jnp.where(m == 0, 0.0, jnp.exp2(f0))
    f0d_ref[0] = f0d
    f0_mel = 1127.0 * jnp.log(1.0 + f0d / 700.0)
    f0_mel = jnp.where(
        f0_mel > 0,
        (f0_mel - _MEL_MIN) * (_F0_BIN - 2) / (_MEL_MAX - _MEL_MIN) + 1.0,
        f0_mel)
    f0_mel = jnp.where(f0_mel <= 1.0, 1.0, f0_mel)
    f0_mel = jnp.where(f0_mel > _F0_BIN - 1, float(_F0_BIN - 1), f0_mel)
    pitch = (f0_mel + 0.5).astype(jnp.int32)
    onehot = (lax.broadcasted_iota(jnp.int32, (_F0_BIN, _TMEL), 0)
              == pitch).astype(jnp.float32)
    pitch_t = lax.dot_general(pe_ref[...], onehot, (((0,), (0,)), ((), ())),
                              preferred_element_type=jnp.float32)
    xp = dec_ref[...]
    lo = lax.bitcast_convert_type(xp << 16, jnp.float32)
    hi = lax.bitcast_convert_type(xp & jnp.int32(-65536), jnp.float32)
    x = jnp.concatenate([lo, hi], axis=1)
    spk = spk_ref[0]
    mask = (m > 0).astype(jnp.float32)
    out_ref[0] = (jnp.transpose(x + spk, (1, 0)) + pitch_t) * mask


def kernel(hubert, spk_embed, f0, pitch_embed, mel2ph):
    hub16 = hubert.reshape(_HROWS, _H).astype(jnp.bfloat16)
    au = lax.bitcast_convert_type(hub16[:, :_HP], jnp.uint16).astype(jnp.uint32)
    bu = lax.bitcast_convert_type(hub16[:, _HP:], jnp.uint16).astype(jnp.uint32)
    hub_packed = lax.bitcast_convert_type(au | (bu << 16), jnp.int32)

    gidx = pl.pallas_call(
        _prep_body,
        out_shape=jax.ShapeDtypeStruct((_B, _TMEL), jnp.int32),
    )(mel2ph).reshape(_ROWS)

    dec = _get_sc_call()(hub_packed, gidx)

    out, f0d = pl.pallas_call(
        _finish_body,
        grid=(_B,),
        in_specs=[
            pl.BlockSpec((_TMEL, _HP), lambda b: (b, 0)),
            pl.BlockSpec((1, 1, _TMEL), lambda b: (b, 0, 0)),
            pl.BlockSpec((1, 1, _TMEL), lambda b: (b, 0, 0)),
            pl.BlockSpec((_F0_BIN, _H), lambda b: (0, 0)),
            pl.BlockSpec((1, 1, _H), lambda b: (b, 0, 0)),
        ],
        out_specs=(
            pl.BlockSpec((1, _H, _TMEL), lambda b: (b, 0, 0)),
            pl.BlockSpec((1, 1, _TMEL), lambda b: (b, 0, 0)),
        ),
        out_shape=(
            jax.ShapeDtypeStruct((_B, _H, _TMEL), jnp.float32),
            jax.ShapeDtypeStruct((_B, 1, _TMEL), jnp.float32),
        ),
    )(dec, mel2ph.reshape(_B, 1, _TMEL), f0.reshape(_B, 1, _TMEL),
      pitch_embed[:_F0_BIN], spk_embed.reshape(_B, 1, _H))

    return out, f0d.reshape(_B, _TMEL)

# --- scband reference (transcript-rebuilt; emitter-appended) ---
"""Pipeline reference for scband-svc-encoder-51084341018732 (READ-ONLY COPY).

The authoritative reference and input builder live on the scoring server;
editing this copy changes nothing except your own understanding.
"""

import jax, jax.numpy as jnp
import numpy as np

B, TPH, TMEL, H = 16, 1024, 2048, 256
F0_BIN = 256
F0_MIN = 50.0
F0_MAX = 1100.0


def f0_to_coarse(f0):
    f0_mel_min = 1127.0 * np.log(1.0 + F0_MIN / 700.0)
    f0_mel_max = 1127.0 * np.log(1.0 + F0_MAX / 700.0)
    f0_mel = 1127.0 * jnp.log(1.0 + f0 / 700.0)
    f0_mel = jnp.where(f0_mel > 0,
                       (f0_mel - f0_mel_min) * (F0_BIN - 2) / (f0_mel_max - f0_mel_min) + 1.0,
                       f0_mel)
    f0_mel = jnp.where(f0_mel <= 1.0, 1.0, f0_mel)
    f0_mel = jnp.where(f0_mel > F0_BIN - 1, float(F0_BIN - 1), f0_mel)
    return (f0_mel + 0.5).astype(jnp.int32)


def setup_inputs(seed: int = 0) -> dict:
    key = jax.random.key(seed)
    k1, k2, k3, k4, k5 = jax.random.split(key, 5)
    hubert = jax.random.normal(k1, (B, TPH, H), dtype=jnp.float32)
    mel2ph = jax.random.randint(k2, (B, TMEL), 0, TPH + 1, dtype=jnp.int32)
    spk_embed = jax.random.normal(k3, (B, 1, H), dtype=jnp.float32)
    f0 = jax.random.uniform(k4, (B, TMEL), dtype=jnp.float32)
    pitch_embed = jax.random.normal(k5, (300, H), dtype=jnp.float32) * 0.02
    return {"hubert": hubert, "spk_embed": spk_embed, "f0": f0,
            "pitch_embed": pitch_embed, "mel2ph": mel2ph}


def reference(hubert, spk_embed, f0, pitch_embed, mel2ph):
    encoder_out = hubert
    # F.pad(encoder_out, [0, 0, 1, 0]) -> pad time dim with one leading zero frame
    decoder_inp_padded = jnp.pad(encoder_out, ((0, 0), (1, 0), (0, 0)))
    idx = jnp.broadcast_to(mel2ph[:, :, None],
                           (mel2ph.shape[0], mel2ph.shape[1], encoder_out.shape[-1]))
    decoder_inp = jnp.take_along_axis(decoder_inp_padded, idx, axis=1)
    tgt_nonpadding = (mel2ph > 0).astype(jnp.float32)[:, :, None]
    # add_pitch
    pitch_padding = (mel2ph == 0)
    f0_denorm = jnp.where(pitch_padding, 0.0, 2.0 ** f0)
    pitch = f0_to_coarse(f0_denorm)
    pitch_embedding = jnp.take(pitch_embed, pitch, axis=0)
    decoder_inp = decoder_inp + pitch_embedding
    decoder_inp = (decoder_inp + spk_embed) * tgt_nonpadding
    return (jnp.transpose(decoder_inp, (0, 2, 1)), f0_denorm)

if __name__ == "__main__":
    import jax
    _d = setup_inputs()
    print(jax.jit(kernel)(*tuple(_d.values())))

</pallas_src>

<mosaic_0001>
#map = affine_map<(d0, d1) -> (0, 0)>
#map1 = affine_map<(d0, d1) -> (0)>
module attributes {stable_mosaic.version = 14 : i64} {
  func.func @_sc_body(%arg0: i32, %arg1: i32, %arg2: memref<16384x128xi32, #tpu.memory_space<hbm>>, %arg3: memref<32768xi32, #tpu.memory_space<hbm>>, %arg4: memref<32768x128xi32, #tpu.memory_space<hbm>>, %arg5: memref<1024xi32, #tpu.memory_space<vmem>>, %arg6: memref<128x128xi32, #tpu.memory_space<vmem>>, %arg7: memref<128x128xi32, #tpu.memory_space<vmem>>, %arg8: memref<!tpu.dma_semaphore, #tpu.memory_space<semaphore_mem>>, %arg9: memref<!tpu.dma_semaphore, #tpu.memory_space<semaphore_mem>>, %arg10: memref<!tpu.dma_semaphore, #tpu.memory_space<semaphore_mem>>) attributes {dimension_semantics = [#tpu.dimension_semantics<core_parallel>, #tpu.dimension_semantics<subcore_parallel>], iteration_bounds = array<i64: 2, 16>, scalar_prefetch = 0 : i64, scratch_operands = 6 : i64, tpu.core_type = #tpu.core_type<sc_vector_subcore>, window_params = [{transform_indices = #map}, {transform_indices = #map1}, {transform_indices = #map}]} {
    %mul3A = arith.constant 2 : i32
    %mul3A_0 = arith.muli %arg1, %mul3A : i32
    %add3A = arith.addi %mul3A_0, %arg0 : i32
    %mul3A_1 = arith.constant 1024 : i32
    %mul3A_2 = arith.muli %add3A, %mul3A_1 : i32
    "tpu.region"() ({
      %run_scoped3A = tpu.sem_alloc : memref<!tpu.dma_semaphore, #tpu.memory_space<semaphore_mem>>
      %dma_start3A_161 = tpu.memref_slice %arg3[%mul3A_2] : memref<32768xi32, #tpu.memory_space<hbm>> -> memref<1024xi32, #tpu.memory_space<hbm>>
      %dma_start3A_162 = tpu.memref_slice %arg3[%mul3A_2] : memref<32768xi32, #tpu.memory_space<hbm>> -> memref<1024xi32, #tpu.memory_space<hbm>>
      tpu.enqueue_dma source(%dma_start3A_162 : memref<1024xi32, #tpu.memory_space<hbm>>) target(%arg5 : memref<1024xi32, #tpu.memory_space<vmem>>) target_semaphore(%run_scoped3A : memref<!tpu.dma_semaphore, #tpu.memory_space<semaphore_mem>>)
      %dma_wait3A_163 = tpu.memref_slice %arg3[%mul3A_2] : memref<32768xi32, #tpu.memory_space<hbm>> -> memref<1024xi32, #tpu.memory_space<hbm>>
      %dma_wait3A_164 = tpu.memref_slice %arg3[%mul3A_2] : memref<32768xi32, #tpu.memory_space<hbm>> -> memref<1024xi32, #tpu.memory_space<hbm>>
      tpu.wait_dma2 semaphore(%run_scoped3A : memref<!tpu.dma_semaphore, #tpu.memory_space<semaphore_mem>>) src(%dma_wait3A_164 : memref<1024xi32, #tpu.memory_space<hbm>>) dst(%arg5 : memref<1024xi32, #tpu.memory_space<vmem>>)
      tpu.yield
    }) : () -> ()
    %dma_start3A = arith.constant 0 : i32
    %dma_start3A_3 = tpu.memref_slice %arg5[%dma_start3A] : memref<1024xi32, #tpu.memory_space<vmem>> -> memref<128xi32, #tpu.memory_space<vmem>>
    %dma_start3A_4 = arith.constant 0 : i32
    %dma_start3A_5 = arith.constant 0 : i32
    %dma_start3A_6 = tpu.memref_slice %arg2[%dma_start3A_4, %dma_start3A_5] : memref<16384x128xi32, #tpu.memory_space<hbm>> -> memref<16384x128xi32, #tpu.memory_space<hbm>>
    tpu.enqueue_indirect_dma source(%dma_start3A_6 : memref<16384x128xi32, #tpu.memory_space<hbm>>) target(%arg6 : memref<128x128xi32, #tpu.memory_space<vmem>>) offsets(%dma_start3A_3 : memref<128xi32, #tpu.memory_space<vmem>>) semaphore(%arg8 : memref<!tpu.dma_semaphore, #tpu.memory_space<semaphore_mem>>)
    %dma_wait3A = arith.constant 0 : i32
    %dma_wait3A_7 = tpu.memref_slice %arg5[%dma_wait3A] : memref<1024xi32, #tpu.memory_space<vmem>> -> memref<128xi32, #tpu.memory_space<vmem>>
    %dma_wait3A_8 = arith.constant 0 : i32
    %dma_wait3A_9 = arith.constant 0 : i32
    %dma_wait3A_10 = tpu.memref_slice %arg2[%dma_wait3A_8, %dma_wait3A_9] : memref<16384x128xi32, #tpu.memory_space<hbm>> -> memref<16384x128xi32, #tpu.memory_space<hbm>>
    tpu.wait_indirect_dma semaphore(%arg8 : memref<!tpu.dma_semaphore, #tpu.memory_space<semaphore_mem>>) src(%dma_wait3A_10 : memref<16384x128xi32, #tpu.memory_space<hbm>>) dst(%arg6 : memref<128x128xi32, #tpu.memory_space<vmem>>)
    %add3A_11 = arith.constant 0 : i32
    %add3A_12 = arith.addi %mul3A_2, %add3A_11 : i32
    %dma_start3A_13 = arith.constant 0 : i32
    %dma_start3A_14 = tpu.memref_slice %arg4[%add3A_12, %dma_start3A_13] : memref<32768x128xi32, #tpu.memory_space<hbm>> -> memref<128x128xi32, #tpu.memory_space<hbm>>
    %dma_start3A_15 = arith.constant 0 : i32
    %dma_start3A_16 = tpu.memref_slice %arg4[%add3A_12, %dma_start3A_15] : memref<32768x128xi32, #tpu.memory_space<hbm>> -> memref<128x128xi32, #tpu.memory_space<hbm>>
    tpu.enqueue_dma source(%arg6 : memref<128x128xi32, #tpu.memory_space<vmem>>) target(%dma_start3A_16 : memref<128x128xi32, #tpu.memory_space<hbm>>) target_semaphore(%arg9 : memref<!tpu.dma_semaphore, #tpu.memory_space<semaphore_mem>>)
    %dma_start3A_17 = arith.constant 128 : i32
    %dma_start3A_18 = tpu.memref_slice %arg5[%dma_start3A_17] : memref<1024xi32, #tpu.memory_space<vmem>> -> memref<128xi32, #tpu.memory_space<vmem>>
    %dma_start3A_19 = arith.constant 0 : i32
    %dma_start3A_20 = arith.constant 0 : i32
    %dma_start3A_21 = tpu.memref_slice %arg2[%dma_start3A_19, %dma_start3A_20] : memref<16384x128xi32, #tpu.memory_space<hbm>> -> memref<16384x128xi32, #tpu.memory_space<hbm>>
    tpu.enqueue_indirect_dma source(%dma_start3A_21 : memref<16384x128xi32, #tpu.memory_space<hbm>>) target(%arg7 : memref<128x128xi32, #tpu.memory_space<vmem>>) offsets(%dma_start3A_18 : memref<128xi32, #tpu.memory_space<vmem>>) semaphore(%arg8 : memref<!tpu.dma_semaphore, #tpu.memory_space<semaphore_mem>>)
    %dma_wait3A_22 = arith.constant 128 : i32
    %dma_wait3A_23 = tpu.memref_slice %arg5[%dma_wait3A_22] : memref<1024xi32, #tpu.memory_space<vmem>> -> memref<128xi32, #tpu.memory_space<vmem>>
    %dma_wait3A_24 = arith.constant 0 : i32
    %dma_wait3A_25 = arith.constant 0 : i32
    %dma_wait3A_26 = tpu.memref_slice %arg2[%dma_wait3A_24, %dma_wait3A_25] : memref<16384x128xi32, #tpu.memory_space<hbm>> -> memref<16384x128xi32, #tpu.memory_space<hbm>>
    tpu.wait_indirect_dma semaphore(%arg8 : memref<!tpu.dma_semaphore, #tpu.memory_space<semaphore_mem>>) src(%dma_wait3A_26 : memref<16384x128xi32, #tpu.memory_space<hbm>>) dst(%arg7 : memref<128x128xi32, #tpu.memory_space<vmem>>)
    %add3A_27 = arith.constant 128 : i32
    %add3A_28 = arith.addi %mul3A_2, %add3A_27 : i32
    %dma_start3A_29 = arith.constant 0 : i32
    %dma_start3A_30 = tpu.memref_slice %arg4[%add3A_28, %dma_start3A_29] : memref<32768x128xi32, #tpu.memory_space<hbm>> -> memref<128x128xi32, #tpu.memory_space<hbm>>
    %dma_start3A_31 = arith.constant 0 : i32
    %dma_start3A_32 = tpu.memref_slice %arg4[%add3A_28, %dma_start3A_31] : memref<32768x128xi32, #tpu.memory_space<hbm>> -> memref<128x128xi32, #tpu.memory_space<hbm>>
    tpu.enqueue_dma source(%arg7 : memref<128x128xi32, #tpu.memory_space<vmem>>) target(%dma_start3A_32 : memref<128x128xi32, #tpu.memory_space<hbm>>) target_semaphore(%arg10 : memref<!tpu.dma_semaphore, #tpu.memory_space<semaphore_mem>>)
    %dma_wait3A_33 = arith.constant 0 : i32
    %dma_wait3A_34 = tpu.memref_slice %arg4[%add3A_12, %dma_wait3A_33] : memref<32768x128xi32, #tpu.memory_space<hbm>> -> memref<128x128xi32, #tpu.memory_space<hbm>>
    %dma_wait3A_35 = arith.constant 0 : i32
    %dma_wait3A_36 = tpu.memref_slice %arg4[%add3A_12, %dma_wait3A_35] : memref<32768x128xi32, #tpu.memory_space<hbm>> -> memref<128x128xi32, #tpu.memory_space<hbm>>
    tpu.wait_dma2 semaphore(%arg9 : memref<!tpu.dma_semaphore, #tpu.memory_space<semaphore_mem>>) src(%arg6 : memref<128x128xi32, #tpu.memory_space<vmem>>) dst(%dma_wait3A_36 : memref<128x128xi32, #tpu.memory_space<hbm>>)
    %dma_start3A_37 = arith.constant 256 : i32
    %dma_start3A_38 = tpu.memref_slice %arg5[%dma_start3A_37] : memref<1024xi32, #tpu.memory_space<vmem>> -> memref<128xi32, #tpu.memory_space<vmem>>
    %dma_start3A_39 = arith.constant 0 : i32
    %dma_start3A_40 = arith.constant 0 : i32
    %dma_start3A_41 = tpu.memref_slice %arg2[%dma_start3A_39, %dma_start3A_40] : memref<16384x128xi32, #tpu.memory_space<hbm>> -> memref<16384x128xi32, #tpu.memory_space<hbm>>
    tpu.enqueue_indirect_dma source(%dma_start3A_41 : memref<16384x128xi32, #tpu.memory_space<hbm>>) target(%arg6 : memref<128x128xi32, #tpu.memory_space<vmem>>) offsets(%dma_start3A_38 : memref<128xi32, #tpu.memory_space<vmem>>) semaphore(%arg8 : memref<!tpu.dma_semaphore, #tpu.memory_space<semaphore_mem>>)
    %dma_wait3A_42 = arith.constant 256 : i32
    %dma_wait3A_43 = tpu.memref_slice %arg5[%dma_wait3A_42] : memref<1024xi32, #tpu.memory_space<vmem>> -> memref<128xi32, #tpu.memory_space<vmem>>
    %dma_wait3A_44 = arith.constant 0 : i32
    %dma_wait3A_45 = arith.constant 0 : i32
    %dma_wait3A_46 = tpu.memref_slice %arg2[%dma_wait3A_44, %dma_wait3A_45] : memref<16384x128xi32, #tpu.memory_space<hbm>> -> memref<16384x128xi32, #tpu.memory_space<hbm>>
    tpu.wait_indirect_dma semaphore(%arg8 : memref<!tpu.dma_semaphore, #tpu.memory_space<semaphore_mem>>) src(%dma_wait3A_46 : memref<16384x128xi32, #tpu.memory_space<hbm>>) dst(%arg6 : memref<128x128xi32, #tpu.memory_space<vmem>>)
    %add3A_47 = arith.constant 256 : i32
    %add3A_48 = arith.addi %mul3A_2, %add3A_47 : i32
    %dma_start3A_49 = arith.constant 0 : i32
    %dma_start3A_50 = tpu.memref_slice %arg4[%add3A_48, %dma_start3A_49] : memref<32768x128xi32, #tpu.memory_space<hbm>> -> memref<128x128xi32, #tpu.memory_space<hbm>>
    %dma_start3A_51 = arith.constant 0 : i32
    %dma_start3A_52 = tpu.memref_slice %arg4[%add3A_48, %dma_start3A_51] : memref<32768x128xi32, #tpu.memory_space<hbm>> -> memref<128x128xi32, #tpu.memory_space<hbm>>
    tpu.enqueue_dma source(%arg6 : memref<128x128xi32, #tpu.memory_space<vmem>>) target(%dma_start3A_52 : memref<128x128xi32, #tpu.memory_space<hbm>>) target_semaphore(%arg9 : memref<!tpu.dma_semaphore, #tpu.memory_space<semaphore_mem>>)
    %dma_wait3A_53 = arith.constant 0 : i32
    %dma_wait3A_54 = tpu.memref_slice %arg4[%add3A_28, %dma_wait3A_53] : memref<32768x128xi32, #tpu.memory_space<hbm>> -> memref<128x128xi32, #tpu.memory_space<hbm>>
    %dma_wait3A_55 = arith.constant 0 : i32
    %dma_wait3A_56 = tpu.memref_slice %arg4[%add3A_28, %dma_wait3A_55] : memref<32768x128xi32, #tpu.memory_space<hbm>> -> memref<128x128xi32, #tpu.memory_space<hbm>>
    tpu.wait_dma2 semaphore(%arg10 : memref<!tpu.dma_semaphore, #tpu.memory_space<semaphore_mem>>) src(%arg7 : memref<128x128xi32, #tpu.memory_space<vmem>>) dst(%dma_wait3A_56 : memref<128x128xi32, #tpu.memory_space<hbm>>)
    %dma_start3A_57 = arith.constant 384 : i32
    %dma_start3A_58 = tpu.memref_slice %arg5[%dma_start3A_57] : memref<1024xi32, #tpu.memory_space<vmem>> -> memref<128xi32, #tpu.memory_space<vmem>>
    %dma_start3A_59 = arith.constant 0 : i32
    %dma_start3A_60 = arith.constant 0 : i32
    %dma_start3A_61 = tpu.memref_slice %arg2[%dma_start3A_59, %dma_start3A_60] : memref<16384x128xi32, #tpu.memory_space<hbm>> -> memref<16384x128xi32, #tpu.memory_space<hbm>>
    tpu.enqueue_indirect_dma source(%dma_start3A_61 : memref<16384x128xi32, #tpu.memory_space<hbm>>) target(%arg7 : memref<128x128xi32, #tpu.memory_space<vmem>>) offsets(%dma_start3A_58 : memref<128xi32, #tpu.memory_space<vmem>>) semaphore(%arg8 : memref<!tpu.dma_semaphore, #tpu.memory_space<semaphore_mem>>)
    %dma_wait3A_62 = arith.constant 384 : i32
    %dma_wait3A_63 = tpu.memref_slice %arg5[%dma_wait3A_62] : memref<1024xi32, #tpu.memory_space<vmem>> -> memref<128xi32, #tpu.memory_space<vmem>>
    %dma_wait3A_64 = arith.constant 0 : i32
    %dma_wait3A_65 = arith.constant 0 : i32
    %dma_wait3A_66 = tpu.memref_slice %arg2[%dma_wait3A_64, %dma_wait3A_65] : memref<16384x128xi32, #tpu.memory_space<hbm>> -> memref<16384x128xi32, #tpu.memory_space<hbm>>
    tpu.wait_indirect_dma semaphore(%arg8 : memref<!tpu.dma_semaphore, #tpu.memory_space<semaphore_mem>>) src(%dma_wait3A_66 : memref<16384x128xi32, #tpu.memory_space<hbm>>) dst(%arg7 : memref<128x128xi32, #tpu.memory_space<vmem>>)
    %add3A_67 = arith.constant 384 : i32
    %add3A_68 = arith.addi %mul3A_2, %add3A_67 : i32
    %dma_start3A_69 = arith.constant 0 : i32
    %dma_start3A_70 = tpu.memref_slice %arg4[%add3A_68, %dma_start3A_69] : memref<32768x128xi32, #tpu.memory_space<hbm>> -> memref<128x128xi32, #tpu.memory_space<hbm>>
    %dma_start3A_71 = arith.constant 0 : i32
    %dma_start3A_72 = tpu.memref_slice %arg4[%add3A_68, %dma_start3A_71] : memref<32768x128xi32, #tpu.memory_space<hbm>> -> memref<128x128xi32, #tpu.memory_space<hbm>>
    tpu.enqueue_dma source(%arg7 : memref<128x128xi32, #tpu.memory_space<vmem>>) target(%dma_start3A_72 : memref<128x128xi32, #tpu.memory_space<hbm>>) target_semaphore(%arg10 : memref<!tpu.dma_semaphore, #tpu.memory_space<semaphore_mem>>)
    %dma_wait3A_73 = arith.constant 0 : i32
    %dma_wait3A_74 = tpu.memref_slice %arg4[%add3A_48, %dma_wait3A_73] : memref<32768x128xi32, #tpu.memory_space<hbm>> -> memref<128x128xi32, #tpu.memory_space<hbm>>
    %dma_wait3A_75 = arith.constant 0 : i32
    %dma_wait3A_76 = tpu.memref_slice %arg4[%add3A_48, %dma_wait3A_75] : memref<32768x128xi32, #tpu.memory_space<hbm>> -> memref<128x128xi32, #tpu.memory_space<hbm>>
    tpu.wait_dma2 semaphore(%arg9 : memref<!tpu.dma_semaphore, #tpu.memory_space<semaphore_mem>>) src(%arg6 : memref<128x128xi32, #tpu.memory_space<vmem>>) dst(%dma_wait3A_76 : memref<128x128xi32, #tpu.memory_space<hbm>>)
    %dma_start3A_77 = arith.constant 512 : i32
    %dma_start3A_78 = tpu.memref_slice %arg5[%dma_start3A_77] : memref<1024xi32, #tpu.memory_space<vmem>> -> memref<128xi32, #tpu.memory_space<vmem>>
    %dma_start3A_79 = arith.constant 0 : i32
    %dma_start3A_80 = arith.constant 0 : i32
    %dma_start3A_81 = tpu.memref_slice %arg2[%dma_start3A_79, %dma_start3A_80] : memref<16384x128xi32, #tpu.memory_space<hbm>> -> memref<16384x128xi32, #tpu.memory_space<hbm>>
    tpu.enqueue_indirect_dma source(%dma_start3A_81 : memref<16384x128xi32, #tpu.memory_space<hbm>>) target(%arg6 : memref<128x128xi32, #tpu.memory_space<vmem>>) offsets(%dma_start3A_78 : memref<128xi32, #tpu.memory_space<vmem>>) semaphore(%arg8 : memref<!tpu.dma_semaphore, #tpu.memory_space<semaphore_mem>>)
    %dma_wait3A_82 = arith.constant 512 : i32
    %dma_wait3A_83 = tpu.memref_slice %arg5[%dma_wait3A_82] : memref<1024xi32, #tpu.memory_space<vmem>> -> memref<128xi32, #tpu.memory_space<vmem>>
    %dma_wait3A_84 = arith.constant 0 : i32
    %dma_wait3A_85 = arith.constant 0 : i32
    %dma_wait3A_86 = tpu.memref_slice %arg2[%dma_wait3A_84, %dma_wait3A_85] : memref<16384x128xi32, #tpu.memory_space<hbm>> -> memref<16384x128xi32, #tpu.memory_space<hbm>>
    tpu.wait_indirect_dma semaphore(%arg8 : memref<!tpu.dma_semaphore, #tpu.memory_space<semaphore_mem>>) src(%dma_wait3A_86 : memref<16384x128xi32, #tpu.memory_space<hbm>>) dst(%arg6 : memref<128x128xi32, #tpu.memory_space<vmem>>)
    %add3A_87 = arith.constant 512 : i32
    %add3A_88 = arith.addi %mul3A_2, %add3A_87 : i32
    %dma_start3A_89 = arith.constant 0 : i32
    %dma_start3A_90 = tpu.memref_slice %arg4[%add3A_88, %dma_start3A_89] : memref<32768x128xi32, #tpu.memory_space<hbm>> -> memref<128x128xi32, #tpu.memory_space<hbm>>
    %dma_start3A_91 = arith.constant 0 : i32
    %dma_start3A_92 = tpu.memref_slice %arg4[%add3A_88, %dma_start3A_91] : memref<32768x128xi32, #tpu.memory_space<hbm>> -> memref<128x128xi32, #tpu.memory_space<hbm>>
    tpu.enqueue_dma source(%arg6 : memref<128x128xi32, #tpu.memory_space<vmem>>) target(%dma_start3A_92 : memref<128x128xi32, #tpu.memory_space<hbm>>) target_semaphore(%arg9 : memref<!tpu.dma_semaphore, #tpu.memory_space<semaphore_mem>>)
    %dma_wait3A_93 = arith.constant 0 : i32
    %dma_wait3A_94 = tpu.memref_slice %arg4[%add3A_68, %dma_wait3A_93] : memref<32768x128xi32, #tpu.memory_space<hbm>> -> memref<128x128xi32, #tpu.memory_space<hbm>>
    %dma_wait3A_95 = arith.constant 0 : i32
    %dma_wait3A_96 = tpu.memref_slice %arg4[%add3A_68, %dma_wait3A_95] : memref<32768x128xi32, #tpu.memory_space<hbm>> -> memref<128x128xi32, #tpu.memory_space<hbm>>
    tpu.wait_dma2 semaphore(%arg10 : memref<!tpu.dma_semaphore, #tpu.memory_space<semaphore_mem>>) src(%arg7 : memref<128x128xi32, #tpu.memory_space<vmem>>) dst(%dma_wait3A_96 : memref<128x128xi32, #tpu.memory_space<hbm>>)
    %dma_start3A_97 = arith.constant 640 : i32
    %dma_start3A_98 = tpu.memref_slice %arg5[%dma_start3A_97] : memref<1024xi32, #tpu.memory_space<vmem>> -> memref<128xi32, #tpu.memory_space<vmem>>
    %dma_start3A_99 = arith.constant 0 : i32
    %dma_start3A_100 = arith.constant 0 : i32
    %dma_start3A_101 = tpu.memref_slice %arg2[%dma_start3A_99, %dma_start3A_100] : memref<16384x128xi32, #tpu.memory_space<hbm>> -> memref<16384x128xi32, #tpu.memory_space<hbm>>
    tpu.enqueue_indirect_dma source(%dma_start3A_101 : memref<16384x128xi32, #tpu.memory_space<hbm>>) target(%arg7 : memref<128x128xi32, #tpu.memory_space<vmem>>) offsets(%dma_start3A_98 : memref<128xi32, #tpu.memory_space<vmem>>) semaphore(%arg8 : memref<!tpu.dma_semaphore, #tpu.memory_space<semaphore_mem>>)
    %dma_wait3A_102 = arith.constant 640 : i32
    %dma_wait3A_103 = tpu.memref_slice %arg5[%dma_wait3A_102] : memref<1024xi32, #tpu.memory_space<vmem>> -> memref<128xi32, #tpu.memory_space<vmem>>
    %dma_wait3A_104 = arith.constant 0 : i32
    %dma_wait3A_105 = arith.constant 0 : i32
    %dma_wait3A_106 = tpu.memref_slice %arg2[%dma_wait3A_104, %dma_wait3A_105] : memref<16384x128xi32, #tpu.memory_space<hbm>> -> memref<16384x128xi32, #tpu.memory_space<hbm>>
    tpu.wait_indirect_dma semaphore(%arg8 : memref<!tpu.dma_semaphore, #tpu.memory_space<semaphore_mem>>) src(%dma_wait3A_106 : memref<16384x128xi32, #tpu.memory_space<hbm>>) dst(%arg7 : memref<128x128xi32, #tpu.memory_space<vmem>>)
    %add3A_107 = arith.constant 640 : i32
    %add3A_108 = arith.addi %mul3A_2, %add3A_107 : i32
    %dma_start3A_109 = arith.constant 0 : i32
    %dma_start3A_110 = tpu.memref_slice %arg4[%add3A_108, %dma_start3A_109] : memref<32768x128xi32, #tpu.memory_space<hbm>> -> memref<128x128xi32, #tpu.memory_space<hbm>>
    %dma_start3A_111 = arith.constant 0 : i32
    %dma_start3A_112 = tpu.memref_slice %arg4[%add3A_108, %dma_start3A_111] : memref<32768x128xi32, #tpu.memory_space<hbm>> -> memref<128x128xi32, #tpu.memory_space<hbm>>
    tpu.enqueue_dma source(%arg7 : memref<128x128xi32, #tpu.memory_space<vmem>>) target(%dma_start3A_112 : memref<128x128xi32, #tpu.memory_space<hbm>>) target_semaphore(%arg10 : memref<!tpu.dma_semaphore, #tpu.memory_space<semaphore_mem>>)
    %dma_wait3A_113 = arith.constant 0 : i32
    %dma_wait3A_114 = tpu.memref_slice %arg4[%add3A_88, %dma_wait3A_113] : memref<32768x128xi32, #tpu.memory_space<hbm>> -> memref<128x128xi32, #tpu.memory_space<hbm>>
    %dma_wait3A_115 = arith.constant 0 : i32
    %dma_wait3A_116 = tpu.memref_slice %arg4[%add3A_88, %dma_wait3A_115] : memref<32768x128xi32, #tpu.memory_space<hbm>> -> memref<128x128xi32, #tpu.memory_space<hbm>>
    tpu.wait_dma2 semaphore(%arg9 : memref<!tpu.dma_semaphore, #tpu.memory_space<semaphore_mem>>) src(%arg6 : memref<128x128xi32, #tpu.memory_space<vmem>>) dst(%dma_wait3A_116 : memref<128x128xi32, #tpu.memory_space<hbm>>)
    %dma_start3A_117 = arith.constant 768 : i32
    %dma_start3A_118 = tpu.memref_slice %arg5[%dma_start3A_117] : memref<1024xi32, #tpu.memory_space<vmem>> -> memref<128xi32, #tpu.memory_space<vmem>>
    %dma_start3A_119 = arith.constant 0 : i32
    %dma_start3A_120 = arith.constant 0 : i32
    %dma_start3A_121 = tpu.memref_slice %arg2[%dma_start3A_119, %dma_start3A_120] : memref<16384x128xi32, #tpu.memory_space<hbm>> -> memref<16384x128xi32, #tpu.memory_space<hbm>>
    tpu.enqueue_indirect_dma source(%dma_start3A_121 : memref<16384x128xi32, #tpu.memory_space<hbm>>) target(%arg6 : memref<128x128xi32, #tpu.memory_space<vmem>>) offsets(%dma_start3A_118 : memref<128xi32, #tpu.memory_space<vmem>>) semaphore(%arg8 : memref<!tpu.dma_semaphore, #tpu.memory_space<semaphore_mem>>)
    %dma_wait3A_122 = arith.constant 768 : i32
    %dma_wait3A_123 = tpu.memref_slice %arg5[%dma_wait3A_122] : memref<1024xi32, #tpu.memory_space<vmem>> -> memref<128xi32, #tpu.memory_space<vmem>>
    %dma_wait3A_124 = arith.constant 0 : i32
    %dma_wait3A_125 = arith.constant 0 : i32
    %dma_wait3A_126 = tpu.memref_slice %arg2[%dma_wait3A_124, %dma_wait3A_125] : memref<16384x128xi32, #tpu.memory_space<hbm>> -> memref<16384x128xi32, #tpu.memory_space<hbm>>
    tpu.wait_indirect_dma semaphore(%arg8 : memref<!tpu.dma_semaphore, #tpu.memory_space<semaphore_mem>>) src(%dma_wait3A_126 : memref<16384x128xi32, #tpu.memory_space<hbm>>) dst(%arg6 : memref<128x128xi32, #tpu.memory_space<vmem>>)
    %add3A_127 = arith.constant 768 : i32
    %add3A_128 = arith.addi %mul3A_2, %add3A_127 : i32
    %dma_start3A_129 = arith.constant 0 : i32
    %dma_start3A_130 = tpu.memref_slice %arg4[%add3A_128, %dma_start3A_129] : memref<32768x128xi32, #tpu.memory_space<hbm>> -> memref<128x128xi32, #tpu.memory_space<hbm>>
    %dma_start3A_131 = arith.constant 0 : i32
    %dma_start3A_132 = tpu.memref_slice %arg4[%add3A_128, %dma_start3A_131] : memref<32768x128xi32, #tpu.memory_space<hbm>> -> memref<128x128xi32, #tpu.memory_space<hbm>>
    tpu.enqueue_dma source(%arg6 : memref<128x128xi32, #tpu.memory_space<vmem>>) target(%dma_start3A_132 : memref<128x128xi32, #tpu.memory_space<hbm>>) target_semaphore(%arg9 : memref<!tpu.dma_semaphore, #tpu.memory_space<semaphore_mem>>)
    %dma_wait3A_133 = arith.constant 0 : i32
    %dma_wait3A_134 = tpu.memref_slice %arg4[%add3A_108, %dma_wait3A_133] : memref<32768x128xi32, #tpu.memory_space<hbm>> -> memref<128x128xi32, #tpu.memory_space<hbm>>
    %dma_wait3A_135 = arith.constant 0 : i32
    %dma_wait3A_136 = tpu.memref_slice %arg4[%add3A_108, %dma_wait3A_135] : memref<32768x128xi32, #tpu.memory_space<hbm>> -> memref<128x128xi32, #tpu.memory_space<hbm>>
    tpu.wait_dma2 semaphore(%arg10 : memref<!tpu.dma_semaphore, #tpu.memory_space<semaphore_mem>>) src(%arg7 : memref<128x128xi32, #tpu.memory_space<vmem>>) dst(%dma_wait3A_136 : memref<128x128xi32, #tpu.memory_space<hbm>>)
    %dma_start3A_137 = arith.constant 896 : i32
    %dma_start3A_138 = tpu.memref_slice %arg5[%dma_start3A_137] : memref<1024xi32, #tpu.memory_space<vmem>> -> memref<128xi32, #tpu.memory_space<vmem>>
    %dma_start3A_139 = arith.constant 0 : i32
    %dma_start3A_140 = arith.constant 0 : i32
    %dma_start3A_141 = tpu.memref_slice %arg2[%dma_start3A_139, %dma_start3A_140] : memref<16384x128xi32, #tpu.memory_space<hbm>> -> memref<16384x128xi32, #tpu.memory_space<hbm>>
    tpu.enqueue_indirect_dma source(%dma_start3A_141 : memref<16384x128xi32, #tpu.memory_space<hbm>>) target(%arg7 : memref<128x128xi32, #tpu.memory_space<vmem>>) offsets(%dma_start3A_138 : memref<128xi32, #tpu.memory_space<vmem>>) semaphore(%arg8 : memref<!tpu.dma_semaphore, #tpu.memory_space<semaphore_mem>>)
    %dma_wait3A_142 = arith.constant 896 : i32
    %dma_wait3A_143 = tpu.memref_slice %arg5[%dma_wait3A_142] : memref<1024xi32, #tpu.memory_space<vmem>> -> memref<128xi32, #tpu.memory_space<vmem>>
    %dma_wait3A_144 = arith.constant 0 : i32
    %dma_wait3A_145 = arith.constant 0 : i32
    %dma_wait3A_146 = tpu.memref_slice %arg2[%dma_wait3A_144, %dma_wait3A_145] : memref<16384x128xi32, #tpu.memory_space<hbm>> -> memref<16384x128xi32, #tpu.memory_space<hbm>>
    tpu.wait_indirect_dma semaphore(%arg8 : memref<!tpu.dma_semaphore, #tpu.memory_space<semaphore_mem>>) src(%dma_wait3A_146 : memref<16384x128xi32, #tpu.memory_space<hbm>>) dst(%arg7 : memref<128x128xi32, #tpu.memory_space<vmem>>)
    %add3A_147 = arith.constant 896 : i32
    %add3A_148 = arith.addi %mul3A_2, %add3A_147 : i32
    %dma_start3A_149 = arith.constant 0 : i32
    %dma_start3A_150 = tpu.memref_slice %arg4[%add3A_148, %dma_start3A_149] : memref<32768x128xi32, #tpu.memory_space<hbm>> -> memref<128x128xi32, #tpu.memory_space<hbm>>
    %dma_start3A_151 = arith.constant 0 : i32
    %dma_start3A_152 = tpu.memref_slice %arg4[%add3A_148, %dma_start3A_151] : memref<32768x128xi32, #tpu.memory_space<hbm>> -> memref<128x128xi32, #tpu.memory_space<hbm>>
    tpu.enqueue_dma source(%arg7 : memref<128x128xi32, #tpu.memory_space<vmem>>) target(%dma_start3A_152 : memref<128x128xi32, #tpu.memory_space<hbm>>) target_semaphore(%arg10 : memref<!tpu.dma_semaphore, #tpu.memory_space<semaphore_mem>>)
    %dma_wait3A_153 = arith.constant 0 : i32
    %dma_wait3A_154 = tpu.memref_slice %arg4[%add3A_128, %dma_wait3A_153] : memref<32768x128xi32, #tpu.memory_space<hbm>> -> memref<128x128xi32, #tpu.memory_space<hbm>>
    %dma_wait3A_155 = arith.constant 0 : i32
    %dma_wait3A_156 = tpu.memref_slice %arg4[%add3A_128, %dma_wait3A_155] : memref<32768x128xi32, #tpu.memory_space<hbm>> -> memref<128x128xi32, #tpu.memory_space<hbm>>
    tpu.wait_dma2 semaphore(%arg9 : memref<!tpu.dma_semaphore, #tpu.memory_space<semaphore_mem>>) src(%arg6 : memref<128x128xi32, #tpu.memory_space<vmem>>) dst(%dma_wait3A_156 : memref<128x128xi32, #tpu.memory_space<hbm>>)
    %dma_wait3A_157 = arith.constant 0 : i32
    %dma_wait3A_158 = tpu.memref_slice %arg4[%add3A_148, %dma_wait3A_157] : memref<32768x128xi32, #tpu.memory_space<hbm>> -> memref<128x128xi32, #tpu.memory_space<hbm>>
    %dma_wait3A_159 = arith.constant 0 : i32
    %dma_wait3A_160 = tpu.memref_slice %arg4[%add3A_148, %dma_wait3A_159] : memref<32768x128xi32, #tpu.memory_space<hbm>> -> memref<128x128xi32, #tpu.memory_space<hbm>>
    tpu.wait_dma2 semaphore(%arg10 : memref<!tpu.dma_semaphore, #tpu.memory_space<semaphore_mem>>) src(%arg7 : memref<128x128xi32, #tpu.memory_space<vmem>>) dst(%dma_wait3A_160 : memref<128x128xi32, #tpu.memory_space<hbm>>)
    return
  }
}

module attributes {stable_mosaic.version = 14 : i64} {
  func.func @_prep_body(%arg0: memref<16x2048xi32, #tpu.memory_space<vmem>>, %arg1: memref<16x2048xi32, #tpu.memory_space<vmem>>) attributes {dimension_semantics = [], scalar_prefetch = 0 : i64, scratch_operands = 0 : i64, tpu.core_type = #tpu.core_type<tc>} {
    %get3A = arith.constant 0 : index
    %get3A_0 = arith.constant 0 : index
    %get3A_1 = vector.load %arg0[%get3A, %get3A_0] : memref<16x2048xi32, #tpu.memory_space<vmem>>, vector<16x2048xi32>
    %iota3A = tpu.iota {dimensions = array<i32: 0>} : vector<16x2048xi32>
    %mul3A = arith.constant 1024 : i32
    %mul3A_2 = vector.broadcast %mul3A : i32 to vector<16x2048xi32>
    %mul3A_3 = arith.muli %iota3A, %mul3A_2 : vector<16x2048xi32>
    %sub3A = arith.constant 1 : i32
    %sub3A_4 = vector.broadcast %sub3A : i32 to vector<16x2048xi32>
    %sub3A_5 = arith.subi %get3A_1, %sub3A_4 : vector<16x2048xi32>
    %max3A = arith.constant 0 : i32
    %max3A_6 = vector.broadcast %max3A : i32 to vector<16x2048xi32>
    %max3A_7 = arith.maxsi %sub3A_5, %max3A_6 : vector<16x2048xi32>
    %add3A = arith.addi %mul3A_3, %max3A_7 : vector<16x2048xi32>
    %swap3A = arith.constant 0 : index
    %swap3A_8 = arith.constant 0 : index
    %swap3A_9 = vector.load %arg1[%swap3A, %swap3A_8] : memref<16x2048xi32, #tpu.memory_space<vmem>>, vector<16x2048xi32>
    tpu.vector_store %arg1[%swap3A, %swap3A_8], %add3A {strides = array<i32>} : memref<16x2048xi32, #tpu.memory_space<vmem>>, vector<16x2048xi32>,
    return
  }
}

module attributes {stable_mosaic.version = 14 : i64} {
  func.func @_finish_body(%arg0: i32, %arg1: memref<2048x128xi32, #tpu.memory_space<vmem>>, %arg2: memref<1x1x2048xi32, #tpu.memory_space<vmem>>, %arg3: memref<1x1x2048xf32, #tpu.memory_space<vmem>>, %arg4: memref<256x256xf32, #tpu.memory_space<vmem>>, %arg5: memref<1x1x256xf32, #tpu.memory_space<vmem>>, %arg6: memref<1x256x2048xf32, #tpu.memory_space<vmem>>, %arg7: memref<1x1x2048xf32, #tpu.memory_space<vmem>>) attributes {dimension_semantics = [#tpu.dimension_semantics<arbitrary>], iteration_bounds = array<i64: 16>, scalar_prefetch = 0 : i64, scratch_operands = 0 : i64, tpu.core_type = #tpu.core_type<tc>, window_params = [{transform_indices = @transform_0, window_bounds = array<i64: 2048, 128>}, {transform_indices = @transform_1, window_bounds = array<i64: 1, 1, 2048>}, {transform_indices = @transform_2, window_bounds = array<i64: 1, 1, 2048>}, {pipeline_mode = #tpu.pipeline_mode<synchronous>, transform_indices = @transform_3, window_bounds = array<i64: 256, 256>}, {transform_indices = @transform_4, window_bounds = array<i64: 1, 1, 256>}, {transform_indices = @transform_5, window_bounds = array<i64: 1, 256, 2048>}, {transform_indices = @transform_6, window_bounds = array<i64: 1, 1, 2048>}]} {
    %get3A = arith.constant 0 : index
    %get3A_0 = arith.constant 0 : index
    %get3A_1 = arith.constant 0 : index
    %get3A_2 = vector.load %arg2[%get3A, %get3A_0, %get3A_1] : memref<1x1x2048xi32, #tpu.memory_space<vmem>>, vector<1x1x2048xi32>
    %get3A_3 = vector.shape_cast %get3A_2 : vector<1x1x2048xi32> to vector<1x2048xi32>
    %get3A_4 = arith.constant 0 : index
    %get3A_5 = arith.constant 0 : index
    %get3A_6 = arith.constant 0 : index
    %get3A_7 = vector.load %arg3[%get3A_4, %get3A_5, %get3A_6] : memref<1x1x2048xf32, #tpu.memory_space<vmem>>, vector<1x1x2048xf32>
    %get3A_8 = vector.shape_cast %get3A_7 : vector<1x1x2048xf32> to vector<1x2048xf32>
    %eq3A = arith.constant 0 : i32
    %eq3A_9 = vector.broadcast %eq3A : i32 to vector<1x2048xi32>
    %eq3A_10 = arith.cmpi eq, %get3A_3, %eq3A_9 : vector<1x2048xi32>
    %exp23A = math.exp2 %get3A_8 : vector<1x2048xf32>
    %jit3A = arith.constant 0.000000e+00 : f32
    %broadcast_in_dim3A = vector.broadcast %jit3A : f32 to vector<1x2048xf32>
    %select_n3A = arith.select %eq3A_10, %broadcast_in_dim3A, %exp23A : vector<1x2048xi1>, vector<1x2048xf32>
    %swap3A = arith.constant 0 : index
    %swap3A_11 = arith.constant 0 : index
    %swap3A_12 = arith.constant 0 : index
    %swap3A_13 = vector.load %arg7[%swap3A, %swap3A_11, %swap3A_12] : memref<1x1x2048xf32, #tpu.memory_space<vmem>>, vector<1x1x2048xf32>
    %swap3A_14 = vector.shape_cast %swap3A_13 : vector<1x1x2048xf32> to vector<1x2048xf32>
    %swap3A_15 = vector.shape_cast %select_n3A : vector<1x2048xf32> to vector<1x1x2048xf32>
    tpu.vector_store %arg7[%swap3A, %swap3A_11, %swap3A_12], %swap3A_15 {strides = array<i32>} : memref<1x1x2048xf32, #tpu.memory_space<vmem>>, vector<1x1x2048xf32>,
    %div3A = arith.constant 7.000000e+02 : f32
    %div3A_16 = vector.broadcast %div3A : f32 to vector<1x2048xf32>
    %div3A_17 = arith.divf %select_n3A, %div3A_16 : vector<1x2048xf32>
    %add3A = arith.constant 1.000000e+00 : f32
    %add3A_18 = vector.broadcast %add3A : f32 to vector<1x2048xf32>
    %add3A_19 = arith.addf %add3A_18, %div3A_17 : vector<1x2048xf32>
    %log3A = math.log %add3A_19 : vector<1x2048xf32>
    %mul3A = arith.constant 1.127000e+03 : f32
    %mul3A_20 = vector.broadcast %mul3A : f32 to vector<1x2048xf32>
    %mul3A_21 = arith.mulf %mul3A_20, %log3A : vector<1x2048xf32>
    %gt3A = arith.constant 0.000000e+00 : f32
    %gt3A_22 = vector.broadcast %gt3A : f32 to vector<1x2048xf32>
    %gt3A_23 = arith.cmpf ogt, %mul3A_21, %gt3A_22 : vector<1x2048xf32>
    %sub3A = arith.constant 77.7549667 : f32
    %sub3A_24 = vector.broadcast %sub3A : f32 to vector<1x2048xf32>
    %sub3A_25 = arith.subf %mul3A_21, %sub3A_24 : vector<1x2048xf32>
    %mul3A_26 = arith.constant 2.540000e+02 : f32
    %mul3A_27 = vector.broadcast %mul3A_26 : f32 to vector<1x2048xf32>
    %mul3A_28 = arith.mulf %sub3A_25, %mul3A_27 : vector<1x2048xf32>
    %div3A_29 = arith.constant 986.653259 : f32
    %div3A_30 = vector.broadcast %div3A_29 : f32 to vector<1x2048xf32>
    %div3A_31 = arith.divf %mul3A_28, %div3A_30 : vector<1x2048xf32>
    %add3A_32 = arith.constant 1.000000e+00 : f32
    %add3A_33 = vector.broadcast %add3A_32 : f32 to vector<1x2048xf32>
    %add3A_34 = arith.addf %div3A_31, %add3A_33 : vector<1x2048xf32>
    %select_n3A_35 = arith.select %gt3A_23, %add3A_34, %mul3A_21 : vector<1x2048xi1>, vector<1x2048xf32>
    %le3A = arith.constant 1.000000e+00 : f32
    %le3A_36 = vector.broadcast %le3A : f32 to vector<1x2048xf32>
    %le3A_37 = arith.cmpf ole, %select_n3A_35, %le3A_36 : vector<1x2048xf32>
    %jit3A_38 = arith.constant 1.000000e+00 : f32
    %broadcast_in_dim3A_39 = vector.broadcast %jit3A_38 : f32 to vector<1x2048xf32>
    %select_n3A_40 = arith.select %le3A_37, %broadcast_in_dim3A_39, %select_n3A_35 : vector<1x2048xi1>, vector<1x2048xf32>
    %gt3A_41 = arith.constant 2.550000e+02 : f32
    %gt3A_42 = vector.broadcast %gt3A_41 : f32 to vector<1x2048xf32>
    %gt3A_43 = arith.cmpf ogt, %select_n3A_40, %gt3A_42 : vector<1x2048xf32>
    %jit3A_44 = arith.constant 2.550000e+02 : f32
    %broadcast_in_dim3A_45 = vector.broadcast %jit3A_44 : f32 to vector<1x2048xf32>
    %select_n3A_46 = arith.select %gt3A_43, %broadcast_in_dim3A_45, %select_n3A_40 : vector<1x2048xi1>, vector<1x2048xf32>
    %add3A_47 = arith.constant 5.000000e-01 : f32
    %add3A_48 = vector.broadcast %add3A_47 : f32 to vector<1x2048xf32>
    %add3A_49 = arith.addf %select_n3A_46, %add3A_48 : vector<1x2048xf32>
    %convert_element_type3A = arith.fptosi %add3A_49 : vector<1x2048xf32> to vector<1x2048xi32>
    %iota3A = tpu.iota {dimensions = array<i32: 0>} : vector<256x2048xi32>
    %eq3A_50 = vector.broadcast %convert_element_type3A : vector<1x2048xi32> to vector<256x2048xi32>
    %eq3A_51 = arith.cmpi eq, %iota3A, %eq3A_50 : vector<256x2048xi32>
    %convert_element_type3A_52 = arith.extui %eq3A_51 : vector<256x2048xi1> to vector<256x2048xi32>
    %convert_element_type3A_53 = arith.sitofp %convert_element_type3A_52 : vector<256x2048xi32> to vector<256x2048xf32>
    %get3A_54 = arith.constant 0 : index
    %get3A_55 = arith.constant 0 : index
    %get3A_56 = vector.load %arg4[%get3A_54, %get3A_55] : memref<256x256xf32, #tpu.memory_space<vmem>>, vector<256x256xf32>
    %dot_general3A = arith.constant dense<0.000000e+00> : vector<256x2048xf32>
    %dot_general3A_57 = tpu.matmul %get3A_56, %convert_element_type3A_53, %dot_general3A {dimension_numbers = #tpu.dot_dimension_numbers<[0], [0], [1], [1], [0, 1, 1, 1], [], []>, transpose_lhs_hint = false} : vector<256x256xf32>, vector<256x2048xf32>, vector<256x2048xf32> -> vector<256x2048xf32>
    %get3A_58 = arith.constant 0 : index
    %get3A_59 = arith.constant 0 : index
    %get3A_60 = vector.load %arg1[%get3A_58, %get3A_59] : memref<2048x128xi32, #tpu.memory_space<vmem>>, vector<2048x128xi32>
    %shift_left3A = arith.constant 16 : i32
    %shift_left3A_61 = vector.broadcast %shift_left3A : i32 to vector<2048x128xi32>
    %shift_left3A_62 = arith.shli %get3A_60, %shift_left3A_61 : vector<2048x128xi32>
    %bitcast_convert_type3A = tpu.bitcast %shift_left3A_62 : vector<2048x128xi32> -> vector<2048x128xf32>
    %and3A = arith.constant -65536 : i32
    %and3A_63 = vector.broadcast %and3A : i32 to vector<2048x128xi32>
    %and3A_64 = arith.andi %get3A_60, %and3A_63 : vector<2048x128xi32>
    %bitcast_convert_type3A_65 = tpu.bitcast %and3A_64 : vector<2048x128xi32> -> vector<2048x128xf32>
    %concatenate3A = tpu.concatenate %bitcast_convert_type3A, %bitcast_convert_type3A_65 in 1 : vector<2048x128xf32>, vector<2048x128xf32> -> vector<2048x256xf32>
    %get3A_66 = arith.constant 0 : index
    %get3A_67 = arith.constant 0 : index
    %get3A_68 = arith.constant 0 : index
    %get3A_69 = vector.load %arg5[%get3A_66, %get3A_67, %get3A_68] : memref<1x1x256xf32, #tpu.memory_space<vmem>>, vector<1x1x256xf32>
    %get3A_70 = vector.shape_cast %get3A_69 : vector<1x1x256xf32> to vector<1x256xf32>
    %gt3A_71 = arith.constant 0 : i32
    %gt3A_72 = vector.broadcast %gt3A_71 : i32 to vector<1x2048xi32>
    %gt3A_73 = arith.cmpi sgt, %get3A_3, %gt3A_72 : vector<1x2048xi32>
    %convert_element_type3A_74 = arith.extui %gt3A_73 : vector<1x2048xi1> to vector<1x2048xi32>
    %convert_element_type3A_75 = arith.sitofp %convert_element_type3A_74 : vector<1x2048xi32> to vector<1x2048xf32>
    %add3A_76 = vector.broadcast %get3A_70 : vector<1x256xf32> to vector<2048x256xf32>
    %add3A_77 = arith.addf %concatenate3A, %add3A_76 : vector<2048x256xf32>
    %transpose3A = tpu.transpose %add3A_77, [1, 0] : vector<2048x256xf32> -> vector<256x2048xf32>
    %add3A_78 = arith.addf %transpose3A, %dot_general3A_57 : vector<256x2048xf32>
    %mul3A_79 = vector.broadcast %convert_element_type3A_75 : vector<1x2048xf32> to vector<256x2048xf32>
    %mul3A_80 = arith.mulf %add3A_78, %mul3A_79 : vector<256x2048xf32>
    %swap3A_81 = arith.constant 0 : index
    %swap3A_82 = arith.constant 0 : index
    %swap3A_83 = arith.constant 0 : index
    %swap3A_84 = vector.load %arg6[%swap3A_81, %swap3A_82, %swap3A_83] : memref<1x256x2048xf32, #tpu.memory_space<vmem>>, vector<1x256x2048xf32>
    %swap3A_85 = vector.shape_cast %swap3A_84 : vector<1x256x2048xf32> to vector<256x2048xf32>
    %swap3A_86 = vector.shape_cast %mul3A_80 : vector<256x2048xf32> to vector<1x256x2048xf32>
    tpu.vector_store %arg6[%swap3A_81, %swap3A_82, %swap3A_83], %swap3A_86 {strides = array<i32>} : memref<1x256x2048xf32, #tpu.memory_space<vmem>>, vector<1x256x2048xf32>,
    return
  }
  func.func @transform_0(%arg0: i32) -> (i32, i32) {
    %c0_i32 = arith.constant 0 : i32
    %c0_i32_0 = arith.constant 0 : i32
    return %arg0, %c0_i32 : i32, i32
  }
  func.func @transform_1(%arg0: i32) -> (i32, i32, i32) {
    %c0_i32 = arith.constant 0 : i32
    %c0_i32_0 = arith.constant 0 : i32
    %c0_i32_1 = arith.constant 0 : i32
    return %arg0, %c0_i32, %c0_i32_0 : i32, i32, i32
  }
  func.func @transform_2(%arg0: i32) -> (i32, i32, i32) {
    %c0_i32 = arith.constant 0 : i32
    %c0_i32_0 = arith.constant 0 : i32
    %c0_i32_1 = arith.constant 0 : i32
    return %arg0, %c0_i32, %c0_i32_0 : i32, i32, i32
  }
  func.func @transform_3(%arg0: i32) -> (i32, i32) {
    %c0_i32 = arith.constant 0 : i32
    %c0_i32_0 = arith.constant 0 : i32
    %c0_i32_1 = arith.constant 0 : i32
    return %c0_i32, %c0_i32_0 : i32, i32
  }
  func.func @transform_4(%arg0: i32) -> (i32, i32, i32) {
    %c0_i32 = arith.constant 0 : i32
    %c0_i32_0 = arith.constant 0 : i32
    %c0_i32_1 = arith.constant 0 : i32
    return %arg0, %c0_i32, %c0_i32_0 : i32, i32, i32
  }
  func.func @transform_5(%arg0: i32) -> (i32, i32, i32) {
    %c0_i32 = arith.constant 0 : i32
    %c0_i32_0 = arith.constant 0 : i32
    %c0_i32_1 = arith.constant 0 : i32
    return %arg0, %c0_i32, %c0_i32_0 : i32, i32, i32
  }
  func.func @transform_6(%arg0: i32) -> (i32, i32, i32) {
    %c0_i32 = arith.constant 0 : i32
    %c0_i32_0 = arith.constant 0 : i32
    %c0_i32_1 = arith.constant 0 : i32
    return %arg0, %c0_i32, %c0_i32_0 : i32, i32, i32
  }
}

</mosaic_0001>

<sc_bundles>
// kernel: kernel.5.cloned.1.call-start
scs
__scs_entry_jumppad:
0x0: {  	(pc) =	sbr.rel $0x88, $3  }
0x1: {  	(tag) =	ssettag $0x0;
	lr =	simm.s32 $0x1  }
0x2: {  	[smem:$0x3F9C] =	sst lr;
	_ =	strace $0xD0000000  }
0x3: {  	_ = 	snop  }
0x4: {  	_ = 	snop  }
0x5: {  	_ = 	snop  }
0x6: {  	_ = 	snop  }
0x7: {  	_ = 	snop  }
__scs_overlays_trampoline_lowered:
0x8: {  	[smem:$0x3FAB] =	sst s0  }
0x9: {  	[smem:$0x3FAC] =	sst s1  }
0xa: {  	[smem:$0x3FAD] =	sst s2  }
0xb: {  	[smem:$0x3FAE] =	sst s3  }
0xc: {  	[smem:$0x3FAF] =	sst s4  }
0xd: {  	[smem:$0x3FB0] =	sst s5  }
0xe: {  	[smem:$0x3FB1] =	sst s6  }
0xf: {  	[smem:$0x3FB2] =	sst s7  }
0x10: {  	[smem:$0x3FB3] =	sst s8  }
0x11: {  	[smem:$0x3FB4] =	sst s9;
	s0 =	simm.s32 @!p0 $0x0  }
0x12: {  	s1 =	sld [smem:$0x3F9A];
	s0 =	simm.s32 @p0 $0x1  }
0x13: {  	[smem:$0x3FB5] =	sst s0;
	s0 =	simm.s32 @!p1 $0x0  }
0x14: {  	s2 =	sld [smem:$0x3F99];
	s0 =	simm.s32 @p1 $0x1  }
0x15: {  	[smem:$0x3FB6] =	sst s0;
	s0 =	simm.s32 @!p2 $0x0  }
0x16: {  	s3 =	sld [smem:$0x3FDB];
	s0 =	simm.s32 @p2 $0x1  }
0x17: {  	s4 =	simm.s32 $0x1BF5;
	[smem:$0x3FB8] =	sst s0  }
0x18: {  	s0 =	sld [smem:$0x3F9B];
	_ =	swait.ge [sflag:s4], $0x0  }
0x19: {  	s7 =	sld [smem:$0x3F9C]  }
0x1a: {  	s8 =	sadd.s32 $0xFFFFE003, lr  }
0x1b: {  	s9 =	sadd.s32 $0xFFFFFEF7, lr;
	s5 =	simm.s32 $0xFFFFFFFF;
	p2 =	slt.u32 s8, $0xFFFFF086  }
0x1c: {  	p1 =	slt.u32 s9, $0xF7A;
	s5 =	simm.s32 @!p2 $0x0  }
0x1d: {  	s5 =	simm.s32 @p1 $0x1;
	p0 =	seq.s32 s7, s2  }
0x1e: {  	s7 =	smul.u32 @!p0 $0xF7A, s2;
	p2 =	seq.s32 @!p0 s5, $0x0  }
0x1f: {  	s9 =	smul.u32 $0xF7A, s1;
	s8 =	simm.s32 @!p0 $0x1BF5;
	p2 =	por !p2, p0  }
0x20: {  	[sflag:s8] =	ssyncset.s32 @!p0 $0xFFFFF086;
	s6 =	sadd.s32 @!p0 s3, s7;
	s7 =	simm.s32 @!p0 $0x108  }
0x21: {  	s3 =	sadd.s32 s3, s9;
	s6 =	sadd.s32 @!p0 $0x88, s6;
	s7 =	simm.s32 @p2 $0x1082  }
0x22: {  	[simem:s7], [sflag:s8] =	dma.local @!p0 [hbm:s6], $0xF7A  }
0x23: {  	s9 =	sor.u32 $0xD0000000, s2;
	s6 =	simm.s32 $0x108;
	_ =	swait.ge @!p0 [sflag:s8], $0x0  }
0x24: {  	s3 =	sadd.s32 $0x88, s3;
	s6 =	simm.s32 @!p1 $0x1082;
	[sflag:s4] =	ssyncset.s32 $0xFFFFF086  }
0x25: {  	[simem:s6], [sflag:s4] =	dma.local [hbm:s3], $0xF7A  }
0x26: {  	[smem:$0x3F9C] =	sst s1;
	(tag) =	ssettag s2;
	_ =	strace s9  }
0x27: {  	s1 =	sld [smem:$0x3FAC]  }
0x28: {  	s2 =	sld [smem:$0x3FAD]  }
0x29: {  	s4 =	sld [smem:$0x3FAF]  }
0x2a: {  	p0 =	seq.s32 s5, $0x0;
	s5 =	sld [smem:$0x3FB0]  }
0x2b: {  	s6 =	sld [smem:$0x3FB1]  }
0x2c: {  	s7 =	sld [smem:$0x3FB2]  }
0x2d: {  	s3 =	simm.s32 $0x108;
	s8 =	sld [smem:$0x3FB3]  }
0x2e: {  	s3 =	simm.s32 @!p0 $0x1082;
	s9 =	sld [smem:$0x3FB4]  }
0x2f: {  	lr =	sadd.s32 s0, s3;
	s0 =	sld [smem:$0x3FAB]  }
0x30: {  	s3 =	sld [smem:$0x3FAE]  }
0x31: {  	[smem:$0x3FB7] =	sst s10  }
0x32: {  	s10 =	sld [smem:$0x3FB5];
	_ =	sdelay $0x3  }
0x33: {  	p0 =	seq.s32 s10, $0x1;
	s10 =	sld [smem:$0x3FB7];
	_ =	sdelay $0x3  }
0x34: {  	[smem:$0x3FB7] =	sst s10  }
0x35: {  	s10 =	sld [smem:$0x3FB6];
	_ =	sdelay $0x3  }
0x36: {  	p1 =	seq.s32 s10, $0x1;
	s10 =	sld [smem:$0x3FB7];
	_ =	sdelay $0x3  }
0x37: {  	[smem:$0x3FB7] =	sst s10  }
0x38: {  	s10 =	sld [smem:$0x3FB8]  }
0x39: {  	_ = 	snop;
	(pc) =	sbr.ind lr, $3  }
0x3a: {  	_ = 	snop  }
0x3b: {  	_ = 	snop  }
0x3c: {  	p2 =	seq.s32 s10, $0x1;
	s10 =	sld [smem:$0x3FB7]  }
0x3d: {  	_ =	shalt  }
0x3e: {  	_ =	shalt  }
0x3f: {  	_ =	shalt  }
0x40: {  	_ =	shalt  }
0x41: {  	_ =	shalt  }
0x42: {  	_ =	shalt  }
0x43: {  	_ =	shalt  }
0x44: {  	_ =	shalt  }
0x45: {  	_ =	shalt  }
0x46: {  	_ =	shalt  }
0x47: {  	_ =	shalt  }
0x48: {  	_ =	shalt  }
0x49: {  	_ =	shalt  }
0x4a: {  	_ =	shalt  }
0x4b: {  	_ =	shalt  }
0x4c: {  	_ =	shalt  }
0x4d: {  	_ =	shalt  }
0x4e: {  	_ =	shalt  }
0x4f: {  	_ =	shalt  }
0x50: {  	_ =	shalt  }
0x51: {  	_ =	shalt  }
0x52: {  	_ =	shalt  }
0x53: {  	_ =	shalt  }
0x54: {  	_ =	shalt  }
0x55: {  	_ =	shalt  }
0x56: {  	_ =	shalt  }
0x57: {  	_ =	shalt  }
0x58: {  	_ =	shalt  }
0x59: {  	_ =	shalt  }
0x5a: {  	_ =	shalt  }
0x5b: {  	_ =	shalt  }
0x5c: {  	_ =	shalt  }
0x5d: {  	_ =	shalt  }
0x5e: {  	_ =	shalt  }
0x5f: {  	_ =	shalt  }
0x60: {  	_ =	shalt  }
0x61: {  	_ =	shalt  }
0x62: {  	_ =	shalt  }
0x63: {  	_ =	shalt  }
0x64: {  	_ =	shalt  }
0x65: {  	_ =	shalt  }
0x66: {  	_ =	shalt  }
0x67: {  	_ =	shalt  }
0x68: {  	_ =	shalt  }
0x69: {  	_ =	shalt  }
0x6a: {  	_ =	shalt  }
0x6b: {  	_ =	shalt  }
0x6c: {  	_ =	shalt  }
0x6d: {  	_ =	shalt  }
0x6e: {  	_ =	shalt  }
0x6f: {  	_ =	shalt  }
0x70: {  	_ =	shalt  }
0x71: {  	_ =	shalt  }
0x72: {  	_ =	shalt  }
0x73: {  	_ =	shalt  }
0x74: {  	_ =	shalt  }
0x75: {  	_ =	shalt  }
0x76: {  	_ =	shalt  }
0x77: {  	_ =	shalt  }
0x78: {  	_ =	shalt  }
0x79: {  	_ =	shalt  }
0x7a: {  	_ =	shalt  }
0x7b: {  	_ =	shalt  }
0x7c: {  	_ =	shalt  }
0x7d: {  	_ =	shalt  }
0x7e: {  	_ =	shalt  }
0x7f: {  	_ =	shalt  }
0x80: {  	_ =	shalt  }
0x81: {  	_ =	shalt  }
0x82: {  	_ =	shalt  }
0x83: {  	_ =	shalt  }
0x84: {  	_ =	shalt  }
0x85: {  	_ =	shalt  }
0x86: {  	_ =	shalt  }
0x87: {  	_ =	shalt  }
.Lfunc_end0:
.L_simem_size_0:
called_computation_lowered:
.L_overlay_start_0:
0x88: {  	s2 =	sld [smem:$0x3FD9]  }
0x89: {  	s3 =	sld [smem:$0x3FFE];
	_ =	sdelay $0x1  }
0x8a: {  	s1 =	srdreg.scid  }
0x8b: {  	s0 =	sand.u32 $0x1, s1  }
0x8c: {  	s14 =	sshll.u32 s0, $0xA;
	s2 =	sadd.s32 s3, s2  }
0x8d: {  	s2 =	sadd.s32 s2, s14  }
0x8e: {  	[smem:$0x3FC3] =	sst s2  }
0x8f: {  	_ = 	snop  }
0x90: {  	s2 =	sld [smem:$0x3FD0];
	_ =	sdelay $0x2  }
0x91: {  	s15 =	simm.s32 $0xA;
	s4 =	simm.s32 $0x10  }
0x92: {  	[smem:s4], [sflag:s15] =	dma.local [hbm:s2], $0x1  }
0x93: {  	_ =	swait.eq [sflag:s15], $0x1  }
0x94: {  	[sflag:s15] =	ssyncset.done $0x0  }
0x95: {  	s16 =	sld [smem:$0x10];
	[sflag:s15] =	ssyncadd.s32 $0xFFFFFFFF  }
0x96: {  	s17 =	sld [smem:$0x11];
	(tm) =	ssettm $0x1  }
0x97: {  	s18 =	sld [smem:$0x3FFB];
	_ =	sdelay $0x3  }
0x98: {  	_ =	strace s18  }
0x99: {  	s4 =	sld [smem:$0x3FFC];
	_ =	sdelay $0x3  }
0x9a: {  	_ =	strace s4  }
0x9b: {  	s4 =	sld [smem:$0x3FFD];
	_ =	sdelay $0x3  }
0x9c: {  	_ =	strace s4  }
0x9d: {  	_ =	strace $0x8FFFFFFF  }
0x9e: {  	s19 =	sld [smem:$0x3FDB];
	_ =	sdelay $0x1  }
0x9f: {  	s5 =	simm.s32 $_scs_section_size  }
0xa0: {  	s6 =	simm.s32 $_size__tile_overlayer_lowered;
	s7 =	simm.s32 $_tile_overlayer_lowered  }
0xa1: {  	s22 =	simm.s32 $0x1BFF;
	s21 =	sshll.u32 s7, $0x1;
	s4 =	sadd.s32 s5, s19  }
0xa2: {  	s8 =	simm.s32 $0x0;
	s20 =	sshll.u32 s6, $0x1;
	s6 =	sadd.s32 s21, s4  }
0xa3: {  	[timem:s8], [sflag:s22] =	dma.local [hbm:s6], s20  }
0xa4: {  	_ =	swait.ge [sflag:s22], s20  }
0xa5: {  	s5 =	ssub.s32 $0x0, s20;
	[sflag:s22] =	ssyncset.done $0x0  }
0xa6: {  	[sflag:s22] =	ssyncadd.s32 s5;
	_ =	sdelay $0x1  }
0xa7: {  	s23 =	simm.s32 $0x1B8B  }
0xa8: {  	_ =	swait.ge [sflag:s23], $0x1  }
0xa9: {  	[sflag:s23] =	ssyncset.done $0x0  }
0xaa: {  	s25 =	simm.s32 $0x1B8E;
	s24 =	sld [smem:$0x3FFE];
	[sflag:s23] =	ssyncadd.s32 $0xFFFFFFFF  }
0xab: {  	s26 =	simm.s32 $execute0_lowered;
	[smem:$0x3FD2] =	sst s25  }
0xac: {  	s6 =	sshll.u32 s26, $0x1;
	_ =	strace $0x80000046;
	[dreg:$0x1] =	wrdreg $0xFFFFFFFF  }
0xad: {  	s28 =	simm.s32 $_size_execute0_lowered;
	s4 =	sadd.s32 s4, s6;
	[dreg:$0x0] =	wrdreg $0x0  }
0xae: {  	s6 =	sshll.u32 s28, $0x1;
	[dreg:$0x2] =	wrdreg s4  }
0xaf: {  	[dreg:$0x3] =	wrdreg s6  }
0xb0: {  	[dreg:$0x4] =	wrdreg $0xC0  }
0xb1: {  	_ =	task [dreg:s8], $0x5FFFF  }
0xb2: {  	[dreg:$0x1] =	wrdreg $0xFFFFFFFF  }
0xb3: {  	[dreg:$0x0] =	wrdreg $0x60  }
0xb4: {  	[dreg:$0x2] =	wrdreg s24  }
0xb5: {  	[dreg:$0x3] =	wrdreg s17  }
0xb6: {  	[dreg:$0x4] =	wrdreg s16  }
0xb7: {  	[dreg:$0x5] =	wrdreg $0x9  }
0xb8: {  	_ =	task.clear_ibuf [dreg:s8], $0x6FFFF;
	_ =	strace $0x90000046  }
0xb9: {  	s29 =	simm.s32 $0x9;
	_ =	strace $0x80000048  }
0xba: {  	_ =	swait.ge [sflag:s29], $0x1  }
0xbb: {  	[sflag:s29] =	ssyncadd.s32 $0xFFFFFFFF  }
0xbc: {  	_ =	strace $0x90000048  }
0xbd: {  	_ =	sfence  }
0xbe: {  	s30 =	sld [smem:$0x0];
	_ =	sdelay $0x2  }
0xbf: {  	s31 =	sshll.u32 s1, $0xD;
	s1 =	sshrl.u32 s1, $0x2  }
0xc0: {  	s3 =	sand.u32 $0x4000, s31;
	s1 =	sadd.s32 s1, s30  }
0xc1: {  	s0 =	sor.u32 s3, s0;
	s1 =	sshll.u32 s1, $0x11  }
0xc2: {  	s0 =	sor.u32 s1, s0  }
0xc3: {  	s0 =	sadd.s32 $0x8F2B, s0  }
0xc4: {  	[sflag:s0] =	ssyncadd.remote.s32 $0x1  }
0xc5: {  	_ =	sfence.sel $0xFFFF  }
0xc6: {  	[dreg:$0x0] =	wrdreg $0xFFFFFFFF;
	(pc) =	sbr.abs _section_cstart, $3  }
0xc7: {  	[dreg:$0x1] =	wrdreg $0xFFFFFFFF  }
0xc8: {  	_ =	task.clear_ibuf [dreg:s8], $0x2FFFF;
	_ =	strace $0x9FFFFFFF  }
0xc9: {  	(tm) =	ssettm $0x7FFFFFFF  }
tec
execute0_lowered:
.L_overlay_start_1:
0x0: {  	(tag) =	ssettag $0x1  }
0x1: {  	s5 =	rddreg [dreg:$0x0];
	s1 =	srdreg.scid  }
0x2: {  	s3 =	rddreg [dreg:$0x1];
	s0 =	stileid.u32;
	s25 =	sand.u32 $0x1, s1  }
0x3: {  	s9 =	rddreg [dreg:$0x2];
	s4 =	sshll.u32 s0, $0xB;
	s6 =	sshll.u32 s25, $0xA  }
0x4: {  	s2 =	simm.s32 $0x0;
	s1 =	rddreg [dreg:$0x3];
	s10 =	sor.u32 s6, s4  }
0x5: {  	[smem:$0x7FF] =	sst s2;
	s4 =	sshrl.u32 s10, $0x3  }
0x6: {  	_ =	strace $0x80000047;
	s3 =	sadd.s32 s3, s4;
	s4 =	simm.s32 $0x4  }
0x7: {  	[tilespmem:s2], [sflag:$0x4] =	stream.linear.gather [hbm4b:s3+s2], $0x400, $0x38;
	[tilespmem:$0x8400] =	vst v63  }
0x8: {  	_ =	swait.ge [sflag:s4], $0x400  }
0x9: {  	s7 =	simm.s32 $0x400;
	s8 =	simm.s32 $0x1;
	[sflag:s4] =	ssyncset.done $0x0  }
0xa: {  	s5 =	sadd.s32 $0x1000, s5;
	s6 =	simm.s32 $0x80;
	[sflag:s4] =	ssyncadd.s32 $0xFFFFFC00  }
0xb: {  	[tilespmem:s7], [sflag:$0x1] =	stream.indirect.gather [hbm4b:s5+s6], $0x80, s2, s6, $0xb8;
	[tilespmem:$0x8400] =	vst v63  }
0xc: {  	_ =	swait.ge [sflag:s8], $0x4000  }
0xd: {  	s10 =	sshll.u32 s10, $0x4;
	[sflag:s8] =	ssyncset.done $0x0  }
0xe: {  	s9 =	sadd.s32 s9, s10;
	[sflag:s8] =	ssyncadd.s32 $0xFFFFC000  }
0xf: {  	[hbm4b:s9+s2] =	stream.linear.scatter [tilespmem:s7], [sflag:$0x2], $0x4000, $0x38;
	[tilespmem:$0x8400] =	vst v63  }
0x10: {  	s10 =	simm.s32 $0x4400  }
0x11: {  	[tilespmem:s10], [sflag:$0x1] =	stream.indirect.gather [hbm4b:s5+s6], $0x80, s6, s6, $0xb8;
	[tilespmem:$0x8400] =	vst v63  }
0x12: {  	_ =	swait.ge [sflag:s8], $0x4000  }
0x13: {  	[sflag:s8] =	ssyncset.done $0x0  }
0x14: {  	s12 =	simm.s32 $0x2;
	s11 =	sadd.s32 $0x800, s9;
	[sflag:s8] =	ssyncadd.s32 $0xFFFFC000  }
0x15: {  	[hbm4b:s11+s2] =	stream.linear.scatter [tilespmem:s10], [sflag:$0x3], $0x4000, $0x38;
	[tilespmem:$0x8400] =	vst v63  }
0x16: {  	_ =	swait.ge [sflag:s12], $0x4000  }
0x17: {  	[sflag:s12] =	ssyncset.done $0x0  }
0x18: {  	s13 =	simm.s32 $0x100;
	[sflag:s12] =	ssyncadd.s32 $0xFFFFC000  }
0x19: {  	[tilespmem:s7], [sflag:$0x1] =	stream.indirect.gather [hbm4b:s5+s6], $0x80, s13, s6, $0xb8;
	[tilespmem:$0x8400] =	vst v63  }
0x1a: {  	_ =	swait.ge [sflag:s8], $0x4000  }
0x1b: {  	[sflag:s8] =	ssyncset.done $0x0  }
0x1c: {  	s14 =	simm.s32 $0x3;
	s15 =	sadd.s32 $0x1000, s9;
	[sflag:s8] =	ssyncadd.s32 $0xFFFFC000  }
0x1d: {  	[hbm4b:s15+s2] =	stream.linear.scatter [tilespmem:s7], [sflag:$0x2], $0x4000, $0x38;
	[tilespmem:$0x8400] =	vst v63  }
0x1e: {  	_ =	swait.ge [sflag:s14], $0x4000  }
0x1f: {  	[sflag:s14] =	ssyncset.done $0x0  }
0x20: {  	s16 =	simm.s32 $0x180;
	[sflag:s14] =	ssyncadd.s32 $0xFFFFC000  }
0x21: {  	[tilespmem:s10], [sflag:$0x1] =	stream.indirect.gather [hbm4b:s5+s6], $0x80, s16, s6, $0xb8;
	[tilespmem:$0x8400] =	vst v63  }
0x22: {  	_ =	swait.ge [sflag:s8], $0x4000  }
0x23: {  	[sflag:s8] =	ssyncset.done $0x0  }
0x24: {  	s17 =	sadd.s32 $0x1800, s9;
	[sflag:s8] =	ssyncadd.s32 $0xFFFFC000  }
0x25: {  	[hbm4b:s17+s2] =	stream.linear.scatter [tilespmem:s10], [sflag:$0x3], $0x4000, $0x38;
	[tilespmem:$0x8400] =	vst v63  }
0x26: {  	_ =	swait.ge [sflag:s12], $0x4000  }
0x27: {  	[sflag:s12] =	ssyncset.done $0x0  }
0x28: {  	s18 =	simm.s32 $0x200;
	[sflag:s12] =	ssyncadd.s32 $0xFFFFC000  }
0x29: {  	[tilespmem:s7], [sflag:$0x1] =	stream.indirect.gather [hbm4b:s5+s6], $0x80, s18, s6, $0xb8;
	[tilespmem:$0x8400] =	vst v63  }
0x2a: {  	_ =	swait.ge [sflag:s8], $0x4000  }
0x2b: {  	[sflag:s8] =	ssyncset.done $0x0  }
0x2c: {  	s19 =	sadd.s32 $0x2000, s9;
	[sflag:s8] =	ssyncadd.s32 $0xFFFFC000  }
0x2d: {  	[hbm4b:s19+s2] =	stream.linear.scatter [tilespmem:s7], [sflag:$0x2], $0x4000, $0x38;
	[tilespmem:$0x8400] =	vst v63  }
0x2e: {  	_ =	swait.ge [sflag:s14], $0x4000  }
0x2f: {  	[sflag:s14] =	ssyncset.done $0x0  }
0x30: {  	s20 =	simm.s32 $0x280;
	[sflag:s14] =	ssyncadd.s32 $0xFFFFC000  }
0x31: {  	[tilespmem:s10], [sflag:$0x1] =	stream.indirect.gather [hbm4b:s5+s6], $0x80, s20, s6, $0xb8;
	[tilespmem:$0x8400] =	vst v63  }
0x32: {  	_ =	swait.ge [sflag:s8], $0x4000  }
0x33: {  	[sflag:s8] =	ssyncset.done $0x0  }
0x34: {  	s21 =	sadd.s32 $0x2800, s9;
	[sflag:s8] =	ssyncadd.s32 $0xFFFFC000  }
0x35: {  	[hbm4b:s21+s2] =	stream.linear.scatter [tilespmem:s10], [sflag:$0x3], $0x4000, $0x38;
	[tilespmem:$0x8400] =	vst v63  }
0x36: {  	_ =	swait.ge [sflag:s12], $0x4000  }
0x37: {  	[sflag:s12] =	ssyncset.done $0x0  }
0x38: {  	s22 =	simm.s32 $0x300;
	[sflag:s12] =	ssyncadd.s32 $0xFFFFC000  }
0x39: {  	[tilespmem:s7], [sflag:$0x1] =	stream.indirect.gather [hbm4b:s5+s6], $0x80, s22, s6, $0xb8;
	[tilespmem:$0x8400] =	vst v63  }
0x3a: {  	_ =	swait.ge [sflag:s8], $0x4000  }
0x3b: {  	[sflag:s8] =	ssyncset.done $0x0  }
0x3c: {  	s23 =	sadd.s32 $0x3000, s9;
	[sflag:s8] =	ssyncadd.s32 $0xFFFFC000  }
0x3d: {  	[hbm4b:s23+s2] =	stream.linear.scatter [tilespmem:s7], [sflag:$0x2], $0x4000, $0x38;
	[tilespmem:$0x8400] =	vst v63  }
0x3e: {  	_ =	swait.ge [sflag:s14], $0x4000  }
0x3f: {  	s26 =	ssub.s32 $0x2, s25;
	[sflag:s14] =	ssyncset.done $0x0  }
0x40: {  	s24 =	simm.s32 $0x380;
	s28 =	sshrl.u32 s26, $0x1;
	[sflag:s14] =	ssyncadd.s32 $0xFFFFC000  }
0x41: {  	[tilespmem:s10], [sflag:$0x1] =	stream.indirect.gather [hbm4b:s5+s6], $0x80, s24, s6, $0xb8;
	[tilespmem:$0x8400] =	vst v63  }
0x42: {  	s26 =	ssub.s32 s26, s28;
	_ =	swait.ge [sflag:s8], $0x4000  }
0x43: {  	s26 =	smax.u32 s26, $0x1;
	[sflag:s8] =	ssyncset.done $0x0  }
0x44: {  	s25 =	sadd.s32 $0x3800, s9;
	p0 =	sne.s32 s26, $0x1;
	[sflag:s8] =	ssyncadd.s32 $0xFFFFC000  }
0x45: {  	[hbm4b:s25+s2] =	stream.linear.scatter [tilespmem:s10], [sflag:$0x3], $0x4000, $0x38;
	[tilespmem:$0x8400] =	vst v63  }
.Ltmp0:
0x46: {  	_ =	swait.ge [sflag:s12], $0x4000;
	(pc) =	sbr.rel @!p0 .LBB2_2-.Ltmp0, $4  }
0x47: {  	[sflag:s12] =	ssyncset.done $0x0  }
0x48: {  	[sflag:s12] =	ssyncadd.s32 $0xFFFFC000  }
0x49: {  	_ =	swait.ge [sflag:s14], $0x4000  }
0x4a: {  	s26 =	sadd.s32 $0xFFFFFFFF, s26;
	[sflag:s14] =	ssyncset.done $0x0  }
.LBB2_1:
0x4b: {  	p0 =	sne.s32 s26, $0x1;
	s26 =	sadd.s32 $0xFFFFFFFF, s26;
	[sflag:s14] =	ssyncadd.s32 $0xFFFFC000  }
0x4c: {  	[tilespmem:s2], [sflag:$0x4] =	stream.linear.gather [hbm4b:s3+s2], $0x400, $0x38;
	[tilespmem:$0x8400] =	vst v63  }
0x4d: {  	_ =	swait.ge [sflag:s4], $0x400  }
0x4e: {  	[sflag:s4] =	ssyncset.done $0x0  }
0x4f: {  	[sflag:s4] =	ssyncadd.s32 $0xFFFFFC00  }
0x50: {  	[tilespmem:s7], [sflag:$0x1] =	stream.indirect.gather [hbm4b:s5+s6], $0x80, s2, s6, $0xb8;
	[tilespmem:$0x8400] =	vst v63  }
0x51: {  	_ =	swait.ge [sflag:s8], $0x4000  }
0x52: {  	[sflag:s8] =	ssyncset.done $0x0  }
0x53: {  	[sflag:s8] =	ssyncadd.s32 $0xFFFFC000  }
0x54: {  	[hbm4b:s9+s2] =	stream.linear.scatter [tilespmem:s7], [sflag:$0x2], $0x4000, $0x38;
	[tilespmem:$0x8400] =	vst v63  }
0x55: {  	_ = 	snop  }
0x56: {  	[tilespmem:s10], [sflag:$0x1] =	stream.indirect.gather [hbm4b:s5+s6], $0x80, s6, s6, $0xb8;
	[tilespmem:$0x8400] =	vst v63  }
0x57: {  	_ =	swait.ge [sflag:s8], $0x4000  }
0x58: {  	[sflag:s8] =	ssyncset.done $0x0  }
0x59: {  	[sflag:s8] =	ssyncadd.s32 $0xFFFFC000  }
0x5a: {  	[hbm4b:s11+s2] =	stream.linear.scatter [tilespmem:s10], [sflag:$0x3], $0x4000, $0x38;
	[tilespmem:$0x8400] =	vst v63  }
0x5b: {  	_ =	swait.ge [sflag:s12], $0x4000  }
0x5c: {  	[sflag:s12] =	ssyncset.done $0x0  }
0x5d: {  	[sflag:s12] =	ssyncadd.s32 $0xFFFFC000  }
0x5e: {  	[tilespmem:s7], [sflag:$0x1] =	stream.indirect.gather [hbm4b:s5+s6], $0x80, s13, s6, $0xb8;
	[tilespmem:$0x8400] =	vst v63  }
0x5f: {  	_ =	swait.ge [sflag:s8], $0x4000  }
0x60: {  	[sflag:s8] =	ssyncset.done $0x0  }
0x61: {  	[sflag:s8] =	ssyncadd.s32 $0xFFFFC000  }
0x62: {  	[hbm4b:s15+s2] =	stream.linear.scatter [tilespmem:s7], [sflag:$0x2], $0x4000, $0x38;
	[tilespmem:$0x8400] =	vst v63  }
0x63: {  	_ =	swait.ge [sflag:s14], $0x4000  }
0x64: {  	[sflag:s14] =	ssyncset.done $0x0  }
0x65: {  	[sflag:s14] =	ssyncadd.s32 $0xFFFFC000  }
0x66: {  	[tilespmem:s10], [sflag:$0x1] =	stream.indirect.gather [hbm4b:s5+s6], $0x80, s16, s6, $0xb8;
	[tilespmem:$0x8400] =	vst v63  }
0x67: {  	_ =	swait.ge [sflag:s8], $0x4000  }
0x68: {  	[sflag:s8] =	ssyncset.done $0x0  }
0x69: {  	[sflag:s8] =	ssyncadd.s32 $0xFFFFC000  }
0x6a: {  	[hbm4b:s17+s2] =	stream.linear.scatter [tilespmem:s10], [sflag:$0x3], $0x4000, $0x38;
	[tilespmem:$0x8400] =	vst v63  }
0x6b: {  	_ =	swait.ge [sflag:s12], $0x4000  }
0x6c: {  	[sflag:s12] =	ssyncset.done $0x0  }
0x6d: {  	[sflag:s12] =	ssyncadd.s32 $0xFFFFC000  }
0x6e: {  	[tilespmem:s7], [sflag:$0x1] =	stream.indirect.gather [hbm4b:s5+s6], $0x80, s18, s6, $0xb8;
	[tilespmem:$0x8400] =	vst v63  }
0x6f: {  	_ =	swait.ge [sflag:s8], $0x4000  }
0x70: {  	[sflag:s8] =	ssyncset.done $0x0  }
0x71: {  	[sflag:s8] =	ssyncadd.s32 $0xFFFFC000  }
0x72: {  	[hbm4b:s19+s2] =	stream.linear.scatter [tilespmem:s7], [sflag:$0x2], $0x4000, $0x38;
	[tilespmem:$0x8400] =	vst v63  }
0x73: {  	_ =	swait.ge [sflag:s14], $0x4000  }
0x74: {  	[sflag:s14] =	ssyncset.done $0x0  }
0x75: {  	[sflag:s14] =	ssyncadd.s32 $0xFFFFC000  }
0x76: {  	[tilespmem:s10], [sflag:$0x1] =	stream.indirect.gather [hbm4b:s5+s6], $0x80, s20, s6, $0xb8;
	[tilespmem:$0x8400] =	vst v63  }
0x77: {  	_ =	swait.ge [sflag:s8], $0x4000  }
0x78: {  	[sflag:s8] =	ssyncset.done $0x0  }
0x79: {  	[sflag:s8] =	ssyncadd.s32 $0xFFFFC000  }
0x7a: {  	[hbm4b:s21+s2] =	stream.linear.scatter [tilespmem:s10], [sflag:$0x3], $0x4000, $0x38;
	[tilespmem:$0x8400] =	vst v63  }
0x7b: {  	_ =	swait.ge [sflag:s12], $0x4000  }
0x7c: {  	[sflag:s12] =	ssyncset.done $0x0  }
0x7d: {  	[sflag:s12] =	ssyncadd.s32 $0xFFFFC000  }
0x7e: {  	[tilespmem:s7], [sflag:$0x1] =	stream.indirect.gather [hbm4b:s5+s6], $0x80, s22, s6, $0xb8;
	[tilespmem:$0x8400] =	vst v63  }
0x7f: {  	_ =	swait.ge [sflag:s8], $0x4000  }
0x80: {  	[sflag:s8] =	ssyncset.done $0x0  }
0x81: {  	[sflag:s8] =	ssyncadd.s32 $0xFFFFC000  }
0x82: {  	[hbm4b:s23+s2] =	stream.linear.scatter [tilespmem:s7], [sflag:$0x2], $0x4000, $0x38;
	[tilespmem:$0x8400] =	vst v63  }
0x83: {  	_ =	swait.ge [sflag:s14], $0x4000  }
0x84: {  	[sflag:s14] =	ssyncset.done $0x0  }
0x85: {  	[sflag:s14] =	ssyncadd.s32 $0xFFFFC000  }
0x86: {  	[tilespmem:s10], [sflag:$0x1] =	stream.indirect.gather [hbm4b:s5+s6], $0x80, s24, s6, $0xb8;
	[tilespmem:$0x8400] =	vst v63  }
0x87: {  	_ =	swait.ge [sflag:s8], $0x4000  }
0x88: {  	[sflag:s8] =	ssyncset.done $0x0  }
0x89: {  	[sflag:s8] =	ssyncadd.s32 $0xFFFFC000  }
0x8a: {  	[hbm4b:s25+s2] =	stream.linear.scatter [tilespmem:s10], [sflag:$0x3], $0x4000, $0x38;
	[tilespmem:$0x8400] =	vst v63  }
.Ltmp1:
0x8b: {  	_ =	swait.ge [sflag:s12], $0x4000;
	(pc) =	sbr.rel @p0 .LBB2_1-.Ltmp1, $4  }
0x8c: {  	[sflag:s12] =	ssyncset.done $0x0  }
0x8d: {  	[sflag:s12] =	ssyncadd.s32 $0xFFFFC000  }
0x8e: {  	_ =	swait.ge [sflag:s14], $0x4000  }
0x8f: {  	[sflag:s14] =	ssyncset.done $0x0  }
.LBB2_2:
0x90: {  	[sflag:s14] =	ssyncadd.s32 $0xFFFFC000  }
0x91: {  	_ =	sfence.sel $0x180000  }
0x92: {  	[bflag:$0x0] =	sbarrier.arrive $0xFFFF  }
0x93: {  	p0 =	sne.s32 s0, $0x0;
	_ =	strace $0x90000047  }
0x94: {  	s0 =	sadd.s32 @!p0 $0x100000, s1;
	[bflag:$0x2] =	sbarrier.arrive $0xFFFF  }
0x95: {  	[sflag:s0] =	ssyncadd.tile.s32 @!p0 $0x1;
	_ =	shalt  }
.Lfunc_end2:
_tile_overlayer_lowered:
.L_overlay_start_2:
0x96: {  	(tag) =	ssettag $0x2  }
0x97: {  	s0 =	rddreg [dreg:$0x0];
	s2 =	stileid.u32  }
0x98: {  	s1 =	rddreg [dreg:$0x1];
	p0 =	sne.s32 s2, $0x0  }
0x99: {  	s3 =	rddreg [dreg:$0x2];
	[bflag:$0x3] =	sbarrier.arrive $0xFFFF;
	s2 =	simm.s32 @!p0 $0x1C04  }
0x9a: {  	[timem:s3], [sflag:s2] =	dma.local @!p0 [hbm:s0], s1  }
0x9b: {  	s0 =	simm.s32 @!p0 $0x4  }
0x9c: {  	_ =	swait.ge @!p0 [sflag:s0], s1  }
0x9d: {  	s1 =	ssub.s32 @!p0 $0x0, s1;
	[sflag:s0] =	ssyncset.done @!p0 $0x0  }
0x9e: {  	[sflag:s0] =	ssyncadd.s32 @!p0 s1  }
0x9f: {  	[bflag:$0x3] =	sbarrier.arrive $0xFFFF  }
0xa0: {  	_ =	shalt  }

</sc_bundles>
